<compile_context>
chip_gen: v7x
topology: tpu7x:2x2x1
jax: 0.10.2.dev20260603
libtpu: 0.0.44.dev20260713+nightly
codegen_flags: <defaults>
</compile_context>

<pallas_src>
import functools

import jax
import jax.numpy as jnp
from jax import lax
from jax.experimental import pallas as pl
from jax.experimental.pallas import tpu as pltpu
from jax.experimental.pallas import tpu_sc as plsc

_NUM_WORKERS = 32
_CHUNK = 128


def _pad_body(t_ref, o_ref):
    o_ref[:, : t_ref.shape[1]] = t_ref[...]


def _tc_pad(table, dp):
    v, d = table.shape
    blk = 10000
    return pl.pallas_call(
        _pad_body,
        grid=(v // blk,),
        in_specs=[pl.BlockSpec((blk, d), lambda i: (i, 0))],
        out_specs=pl.BlockSpec((blk, dp), lambda i: (i, 0)),
        out_shape=jax.ShapeDtypeStruct((v, dp), jnp.float32),
    )(table)


def _sc_gather(idx3, table):
    n_workers, n_chunks, chunk = idx3.shape
    _, dp = table.shape
    mesh = plsc.VectorSubcoreMesh(core_axis_name="c", subcore_axis_name="s")

    @functools.partial(
        pl.kernel,
        mesh=mesh,
        out_type=jax.ShapeDtypeStruct((n_workers * n_chunks * chunk, dp),
                                      jnp.float32),
        scratch_types=[
            pltpu.VMEM((n_chunks, chunk), jnp.int32),
            pltpu.VMEM((chunk, dp), jnp.float32),
            pltpu.VMEM((chunk, dp), jnp.float32),
            pltpu.SemaphoreType.DMA,
            pltpu.SemaphoreType.DMA,
        ],
    )
    def k(x_hbm, tbl_hbm, out_hbm, idx_v, buf_a, buf_b, sem_a, sem_b):
        wid = lax.axis_index("s") * 2 + lax.axis_index("c")
        base = wid * (n_chunks * chunk)

        def out_at(j):
            return out_hbm.at[pl.ds(base + j * chunk, chunk)]

        pltpu.sync_copy(x_hbm.at[wid], idx_v)
        pltpu.async_copy(tbl_hbm.at[idx_v.at[0]], buf_a, sem_a)

        def body(i, carry):
            g = 2 * i
            pltpu.async_copy(tbl_hbm.at[idx_v.at[g + 1]], buf_b, sem_b)
            pltpu.make_async_copy(tbl_hbm.at[idx_v.at[g]], buf_a,
                                  sem_a).wait()
            pltpu.sync_copy(buf_a, out_at(g))

            @pl.when(g + 2 < n_chunks)
            def _():
                pltpu.async_copy(tbl_hbm.at[idx_v.at[g + 2]], buf_a, sem_a)

            pltpu.make_async_copy(tbl_hbm.at[idx_v.at[g + 1]], buf_b,
                                  sem_b).wait()
            pltpu.sync_copy(buf_b, out_at(g + 1))
            return carry

        lax.fori_loop(0, n_chunks // 2, body, 0)

    return k(idx3, table)


def kernel(X, table):
    b, t = X.shape
    _, d = table.shape
    total = b * t
    n_chunks = total // (_NUM_WORKERS * _CHUNK)
    idx3 = X.reshape(_NUM_WORKERS, n_chunks, _CHUNK).astype(jnp.int32)
    table_p = _tc_pad(table, 128)
    out = _sc_gather(idx3, table_p)
    return out[:, :d].reshape(b, t, d)

# --- scband reference (transcript-rebuilt; emitter-appended) ---
"""Pipeline reference for scband-word2-vec-11158325035096 (READ-ONLY COPY).

The authoritative reference and input builder live on the scoring server;
editing this copy changes nothing except your own understanding.
"""

import jax, jax.numpy as jnp
import numpy as np

VOCAB = 100000
EMBED_DIM = 100

def setup_inputs(seed: int = 0) -> dict:
    key = jax.random.key(seed)
    k1, k2 = jax.random.split(key)
    X = jax.random.randint(k1, (4096, 200), 0, VOCAB, dtype=jnp.int64) if jax.config.jax_enable_x64 else jax.random.randint(k1, (4096, 200), 0, VOCAB, dtype=jnp.int32)
    table = jax.random.normal(k2, (VOCAB, EMBED_DIM), dtype=jnp.float32)
    return {"X": X, "table": table}

def reference(X, table):
    # Word2Vec.forward: frozen embedding lookup
    return jnp.take(table, X, axis=0)

if __name__ == "__main__":
    import jax
    _d = setup_inputs()
    print(jax.jit(kernel)(*tuple(_d.values())))

</pallas_src>

<mosaic_0001>
#map = affine_map<(d0, d1) -> (0, 0, 0)>
#map1 = affine_map<(d0, d1) -> (0, 0)>
module attributes {stable_mosaic.version = 14 : i64} {
  func.func @k(%arg0: i32, %arg1: i32, %arg2: memref<32x200x128xi32, #tpu.memory_space<hbm>>, %arg3: memref<100000x128xf32, #tpu.memory_space<hbm>>, %arg4: memref<819200x128xf32, #tpu.memory_space<hbm>>, %arg5: memref<200x128xi32, #tpu.memory_space<vmem>>, %arg6: memref<128x128xf32, #tpu.memory_space<vmem>>, %arg7: memref<128x128xf32, #tpu.memory_space<vmem>>, %arg8: memref<!tpu.dma_semaphore, #tpu.memory_space<semaphore_mem>>, %arg9: memref<!tpu.dma_semaphore, #tpu.memory_space<semaphore_mem>>) attributes {dimension_semantics = [#tpu.dimension_semantics<core_parallel>, #tpu.dimension_semantics<subcore_parallel>], iteration_bounds = array<i64: 2, 16>, scalar_prefetch = 0 : i64, scratch_operands = 5 : i64, tpu.core_type = #tpu.core_type<sc_vector_subcore>, window_params = [{transform_indices = #map}, {transform_indices = #map1}, {transform_indices = #map1}]} {
    %mul3A = arith.constant 2 : i32
    %mul3A_0 = arith.muli %arg1, %mul3A : i32
    %add3A = arith.addi %mul3A_0, %arg0 : i32
    %mul3A_1 = arith.constant 25600 : i32
    %mul3A_2 = arith.muli %add3A, %mul3A_1 : i32
    "tpu.region"() ({
      %run_scoped3A = tpu.sem_alloc : memref<!tpu.dma_semaphore, #tpu.memory_space<semaphore_mem>>
      %dma_start3A_14 = arith.constant 0 : i32
      %dma_start3A_15 = arith.constant 0 : i32
      %dma_start3A_16 = tpu.memref_slice %arg2[%add3A, %dma_start3A_14, %dma_start3A_15] : memref<32x200x128xi32, #tpu.memory_space<hbm>> -> memref<1x200x128xi32, #tpu.memory_space<hbm>>
      %dma_start3A_17 = tpu.memref_squeeze %dma_start3A_16 : memref<1x200x128xi32, #tpu.memory_space<hbm>> -> memref<200x128xi32, #tpu.memory_space<hbm>>
      %dma_start3A_18 = arith.constant 0 : i32
      %dma_start3A_19 = arith.constant 0 : i32
      %dma_start3A_20 = tpu.memref_slice %arg2[%add3A, %dma_start3A_18, %dma_start3A_19] : memref<32x200x128xi32, #tpu.memory_space<hbm>> -> memref<1x200x128xi32, #tpu.memory_space<hbm>>
      %dma_start3A_21 = tpu.memref_squeeze %dma_start3A_20 : memref<1x200x128xi32, #tpu.memory_space<hbm>> -> memref<200x128xi32, #tpu.memory_space<hbm>>
      tpu.enqueue_dma source(%dma_start3A_21 : memref<200x128xi32, #tpu.memory_space<hbm>>) target(%arg5 : memref<200x128xi32, #tpu.memory_space<vmem>>) target_semaphore(%run_scoped3A : memref<!tpu.dma_semaphore, #tpu.memory_space<semaphore_mem>>)
      %dma_wait3A = arith.constant 0 : i32
      %dma_wait3A_22 = arith.constant 0 : i32
      %dma_wait3A_23 = tpu.memref_slice %arg2[%add3A, %dma_wait3A, %dma_wait3A_22] : memref<32x200x128xi32, #tpu.memory_space<hbm>> -> memref<1x200x128xi32, #tpu.memory_space<hbm>>
      %dma_wait3A_24 = tpu.memref_squeeze %dma_wait3A_23 : memref<1x200x128xi32, #tpu.memory_space<hbm>> -> memref<200x128xi32, #tpu.memory_space<hbm>>
      %dma_wait3A_25 = arith.constant 0 : i32
      %dma_wait3A_26 = arith.constant 0 : i32
      %dma_wait3A_27 = tpu.memref_slice %arg2[%add3A, %dma_wait3A_25, %dma_wait3A_26] : memref<32x200x128xi32, #tpu.memory_space<hbm>> -> memref<1x200x128xi32, #tpu.memory_space<hbm>>
      %dma_wait3A_28 = tpu.memref_squeeze %dma_wait3A_27 : memref<1x200x128xi32, #tpu.memory_space<hbm>> -> memref<200x128xi32, #tpu.memory_space<hbm>>
      tpu.wait_dma2 semaphore(%run_scoped3A : memref<!tpu.dma_semaphore, #tpu.memory_space<semaphore_mem>>) src(%dma_wait3A_28 : memref<200x128xi32, #tpu.memory_space<hbm>>) dst(%arg5 : memref<200x128xi32, #tpu.memory_space<vmem>>)
      tpu.yield
    }) : () -> ()
    %dma_start3A = arith.constant 0 : i32
    %dma_start3A_3 = arith.constant 0 : i32
    %dma_start3A_4 = tpu.memref_slice %arg5[%dma_start3A, %dma_start3A_3] : memref<200x128xi32, #tpu.memory_space<vmem>> -> memref<1x128xi32, #tpu.memory_space<vmem>>
    %dma_start3A_5 = tpu.memref_squeeze %dma_start3A_4 : memref<1x128xi32, #tpu.memory_space<vmem>> -> memref<128xi32, #tpu.memory_space<vmem>>
    %dma_start3A_6 = arith.constant 0 : i32
    %dma_start3A_7 = arith.constant 0 : i32
    %dma_start3A_8 = tpu.memref_slice %arg3[%dma_start3A_6, %dma_start3A_7] : memref<100000x128xf32, #tpu.memory_space<hbm>> -> memref<100000x128xf32, #tpu.memory_space<hbm>>
    tpu.enqueue_indirect_dma source(%dma_start3A_8 : memref<100000x128xf32, #tpu.memory_space<hbm>>) target(%arg6 : memref<128x128xf32, #tpu.memory_space<vmem>>) offsets(%dma_start3A_5 : memref<128xi32, #tpu.memory_space<vmem>>) semaphore(%arg8 : memref<!tpu.dma_semaphore, #tpu.memory_space<semaphore_mem>>)
    %scan3A = arith.constant 0 : i32
    %scan3A_9 = arith.constant 0 : i32
    %scan3A_10 = arith.constant 100 : i32
    %scan3A_11 = arith.addi %scan3A_9, %scan3A_10 : i32
    %scan3A_12 = arith.constant 1 : i32
    scf.for %scan3A_14 = %scan3A_9 to %scan3A_11 step %scan3A_12  : i32 {
      %mul3A_15 = arith.constant 2 : i32
      %mul3A_16 = arith.muli %mul3A_15, %scan3A_14 : i32
      %add3A_17 = arith.constant 1 : i32
      %add3A_18 = arith.addi %mul3A_16, %add3A_17 : i32
      %dma_start3A_19 = arith.constant 0 : i32
      %dma_start3A_20 = tpu.memref_slice %arg5[%add3A_18, %dma_start3A_19] : memref<200x128xi32, #tpu.memory_space<vmem>> -> memref<1x128xi32, #tpu.memory_space<vmem>>
      %dma_start3A_21 = tpu.memref_squeeze %dma_start3A_20 : memref<1x128xi32, #tpu.memory_space<vmem>> -> memref<128xi32, #tpu.memory_space<vmem>>
      %dma_start3A_22 = arith.constant 0 : i32
      %dma_start3A_23 = arith.constant 0 : i32
      %dma_start3A_24 = tpu.memref_slice %arg3[%dma_start3A_22, %dma_start3A_23] : memref<100000x128xf32, #tpu.memory_space<hbm>> -> memref<100000x128xf32, #tpu.memory_space<hbm>>
      tpu.enqueue_indirect_dma source(%dma_start3A_24 : memref<100000x128xf32, #tpu.memory_space<hbm>>) target(%arg7 : memref<128x128xf32, #tpu.memory_space<vmem>>) offsets(%dma_start3A_21 : memref<128xi32, #tpu.memory_space<vmem>>) semaphore(%arg9 : memref<!tpu.dma_semaphore, #tpu.memory_space<semaphore_mem>>)
      %dma_wait3A = arith.constant 0 : i32
      %dma_wait3A_25 = tpu.memref_slice %arg5[%mul3A_16, %dma_wait3A] : memref<200x128xi32, #tpu.memory_space<vmem>> -> memref<1x128xi32, #tpu.memory_space<vmem>>
      %dma_wait3A_26 = tpu.memref_squeeze %dma_wait3A_25 : memref<1x128xi32, #tpu.memory_space<vmem>> -> memref<128xi32, #tpu.memory_space<vmem>>
      %dma_wait3A_27 = arith.constant 0 : i32
      %dma_wait3A_28 = arith.constant 0 : i32
      %dma_wait3A_29 = tpu.memref_slice %arg3[%dma_wait3A_27, %dma_wait3A_28] : memref<100000x128xf32, #tpu.memory_space<hbm>> -> memref<100000x128xf32, #tpu.memory_space<hbm>>
      tpu.wait_indirect_dma semaphore(%arg8 : memref<!tpu.dma_semaphore, #tpu.memory_space<semaphore_mem>>) src(%dma_wait3A_29 : memref<100000x128xf32, #tpu.memory_space<hbm>>) dst(%arg6 : memref<128x128xf32, #tpu.memory_space<vmem>>)
      %mul3A_30 = arith.constant 128 : i32
      %mul3A_31 = arith.muli %mul3A_16, %mul3A_30 : i32
      %add3A_32 = arith.addi %mul3A_2, %mul3A_31 : i32
      "tpu.region"() ({
        %run_scoped3A = tpu.sem_alloc : memref<!tpu.dma_semaphore, #tpu.memory_space<semaphore_mem>>
        %dma_start3A_50 = arith.constant 0 : i32
        %dma_start3A_51 = tpu.memref_slice %arg4[%add3A_32, %dma_start3A_50] : memref<819200x128xf32, #tpu.memory_space<hbm>> -> memref<128x128xf32, #tpu.memory_space<hbm>>
        %dma_start3A_52 = arith.constant 0 : i32
        %dma_start3A_53 = tpu.memref_slice %arg4[%add3A_32, %dma_start3A_52] : memref<819200x128xf32, #tpu.memory_space<hbm>> -> memref<128x128xf32, #tpu.memory_space<hbm>>
        tpu.enqueue_dma source(%arg6 : memref<128x128xf32, #tpu.memory_space<vmem>>) target(%dma_start3A_53 : memref<128x128xf32, #tpu.memory_space<hbm>>) target_semaphore(%run_scoped3A : memref<!tpu.dma_semaphore, #tpu.memory_space<semaphore_mem>>)
        %dma_wait3A_54 = arith.constant 0 : i32
        %dma_wait3A_55 = tpu.memref_slice %arg4[%add3A_32, %dma_wait3A_54] : memref<819200x128xf32, #tpu.memory_space<hbm>> -> memref<128x128xf32, #tpu.memory_space<hbm>>
        %dma_wait3A_56 = arith.constant 0 : i32
        %dma_wait3A_57 = tpu.memref_slice %arg4[%add3A_32, %dma_wait3A_56] : memref<819200x128xf32, #tpu.memory_space<hbm>> -> memref<128x128xf32, #tpu.memory_space<hbm>>
        tpu.wait_dma2 semaphore(%run_scoped3A : memref<!tpu.dma_semaphore, #tpu.memory_space<semaphore_mem>>) src(%arg6 : memref<128x128xf32, #tpu.memory_space<vmem>>) dst(%dma_wait3A_57 : memref<128x128xf32, #tpu.memory_space<hbm>>)
        tpu.yield
      }) : () -> ()
      %add3A_33 = arith.constant 2 : i32
      %add3A_34 = arith.addi %mul3A_16, %add3A_33 : i32
      %lt3A = arith.constant 200 : i32
      %lt3A_35 = arith.cmpi slt, %add3A_34, %lt3A : i32
      %convert_element_type3A = arith.extui %lt3A_35 : i1 to i32
      %cond3A = arith.constant 0 : i32
      %cond3A_36 = arith.cmpi ne, %convert_element_type3A, %cond3A : i32
      scf.if %cond3A_36 {
        %add3A_50 = arith.constant 2 : i32
        %add3A_51 = arith.addi %mul3A_16, %add3A_50 : i32
        %dma_start3A_52 = arith.constant 0 : i32
        %dma_start3A_53 = tpu.memref_slice %arg5[%add3A_51, %dma_start3A_52] : memref<200x128xi32, #tpu.memory_space<vmem>> -> memref<1x128xi32, #tpu.memory_space<vmem>>
        %dma_start3A_54 = tpu.memref_squeeze %dma_start3A_53 : memref<1x128xi32, #tpu.memory_space<vmem>> -> memref<128xi32, #tpu.memory_space<vmem>>
        %dma_start3A_55 = arith.constant 0 : i32
        %dma_start3A_56 = arith.constant 0 : i32
        %dma_start3A_57 = tpu.memref_slice %arg3[%dma_start3A_55, %dma_start3A_56] : memref<100000x128xf32, #tpu.memory_space<hbm>> -> memref<100000x128xf32, #tpu.memory_space<hbm>>
        tpu.enqueue_indirect_dma source(%dma_start3A_57 : memref<100000x128xf32, #tpu.memory_space<hbm>>) target(%arg6 : memref<128x128xf32, #tpu.memory_space<vmem>>) offsets(%dma_start3A_54 : memref<128xi32, #tpu.memory_space<vmem>>) semaphore(%arg8 : memref<!tpu.dma_semaphore, #tpu.memory_space<semaphore_mem>>)
      } else {
      }
      %add3A_37 = arith.constant 1 : i32
      %add3A_38 = arith.addi %mul3A_16, %add3A_37 : i32
      %dma_wait3A_39 = arith.constant 0 : i32
      %dma_wait3A_40 = tpu.memref_slice %arg5[%add3A_38, %dma_wait3A_39] : memref<200x128xi32, #tpu.memory_space<vmem>> -> memref<1x128xi32, #tpu.memory_space<vmem>>
      %dma_wait3A_41 = tpu.memref_squeeze %dma_wait3A_40 : memref<1x128xi32, #tpu.memory_space<vmem>> -> memref<128xi32, #tpu.memory_space<vmem>>
      %dma_wait3A_42 = arith.constant 0 : i32
      %dma_wait3A_43 = arith.constant 0 : i32
      %dma_wait3A_44 = tpu.memref_slice %arg3[%dma_wait3A_42, %dma_wait3A_43] : memref<100000x128xf32, #tpu.memory_space<hbm>> -> memref<100000x128xf32, #tpu.memory_space<hbm>>
      tpu.wait_indirect_dma semaphore(%arg9 : memref<!tpu.dma_semaphore, #tpu.memory_space<semaphore_mem>>) src(%dma_wait3A_44 : memref<100000x128xf32, #tpu.memory_space<hbm>>) dst(%arg7 : memref<128x128xf32, #tpu.memory_space<vmem>>)
      %add3A_45 = arith.constant 1 : i32
      %add3A_46 = arith.addi %mul3A_16, %add3A_45 : i32
      %mul3A_47 = arith.constant 128 : i32
      %mul3A_48 = arith.muli %add3A_46, %mul3A_47 : i32
      %add3A_49 = arith.addi %mul3A_2, %mul3A_48 : i32
      "tpu.region"() ({
        %run_scoped3A = tpu.sem_alloc : memref<!tpu.dma_semaphore, #tpu.memory_space<semaphore_mem>>
        %dma_start3A_50 = arith.constant 0 : i32
        %dma_start3A_51 = tpu.memref_slice %arg4[%add3A_49, %dma_start3A_50] : memref<819200x128xf32, #tpu.memory_space<hbm>> -> memref<128x128xf32, #tpu.memory_space<hbm>>
        %dma_start3A_52 = arith.constant 0 : i32
        %dma_start3A_53 = tpu.memref_slice %arg4[%add3A_49, %dma_start3A_52] : memref<819200x128xf32, #tpu.memory_space<hbm>> -> memref<128x128xf32, #tpu.memory_space<hbm>>
        tpu.enqueue_dma source(%arg7 : memref<128x128xf32, #tpu.memory_space<vmem>>) target(%dma_start3A_53 : memref<128x128xf32, #tpu.memory_space<hbm>>) target_semaphore(%run_scoped3A : memref<!tpu.dma_semaphore, #tpu.memory_space<semaphore_mem>>)
        %dma_wait3A_54 = arith.constant 0 : i32
        %dma_wait3A_55 = tpu.memref_slice %arg4[%add3A_49, %dma_wait3A_54] : memref<819200x128xf32, #tpu.memory_space<hbm>> -> memref<128x128xf32, #tpu.memory_space<hbm>>
        %dma_wait3A_56 = arith.constant 0 : i32
        %dma_wait3A_57 = tpu.memref_slice %arg4[%add3A_49, %dma_wait3A_56] : memref<819200x128xf32, #tpu.memory_space<hbm>> -> memref<128x128xf32, #tpu.memory_space<hbm>>
        tpu.wait_dma2 semaphore(%run_scoped3A : memref<!tpu.dma_semaphore, #tpu.memory_space<semaphore_mem>>) src(%arg7 : memref<128x128xf32, #tpu.memory_space<vmem>>) dst(%dma_wait3A_57 : memref<128x128xf32, #tpu.memory_space<hbm>>)
        tpu.yield
      }) : () -> ()
    }
    %scan3A_13 = arith.constant 100 : i32
    return
  }
}

module attributes {stable_mosaic.version = 14 : i64} {
  func.func @_pad_body(%arg0: i32, %arg1: memref<10000x100xf32, #tpu.memory_space<vmem>>, %arg2: memref<10000x128xf32, #tpu.memory_space<vmem>>) attributes {dimension_semantics = [#tpu.dimension_semantics<arbitrary>], iteration_bounds = array<i64: 10>, scalar_prefetch = 0 : i64, scratch_operands = 0 : i64, tpu.core_type = #tpu.core_type<tc>, window_params = [{transform_indices = @transform_0, window_bounds = array<i64: 10000, 100>}, {transform_indices = @transform_1, window_bounds = array<i64: 10000, 128>}]} {
    %get3A = arith.constant 0 : index
    %get3A_0 = arith.constant 0 : index
    %get3A_1 = vector.load %arg1[%get3A, %get3A_0] : memref<10000x100xf32, #tpu.memory_space<vmem>>, vector<10000x100xf32>
    %swap3A = arith.constant 0 : index
    %swap3A_2 = arith.constant 0 : index
    %swap3A_3 = vector.load %arg2[%swap3A, %swap3A_2] : memref<10000x128xf32, #tpu.memory_space<vmem>>, vector<10000x100xf32>
    tpu.vector_store %arg2[%swap3A, %swap3A_2], %get3A_1 {strides = array<i32>} : memref<10000x128xf32, #tpu.memory_space<vmem>>, vector<10000x100xf32>,
    return
  }
  func.func @transform_0(%arg0: i32) -> (i32, i32) {
    %c0_i32 = arith.constant 0 : i32
    %c0_i32_0 = arith.constant 0 : i32
    return %arg0, %c0_i32 : i32, i32
  }
  func.func @transform_1(%arg0: i32) -> (i32, i32) {
    %c0_i32 = arith.constant 0 : i32
    %c0_i32_0 = arith.constant 0 : i32
    return %arg0, %c0_i32 : i32, i32
  }
}

</mosaic_0001>

<sc_bundles>
// kernel: kernel.4.cloned.1.call-start
scs
__scs_entry_jumppad:
0x0: {  	(pc) =	sbr.rel $0x88, $3  }
0x1: {  	(tag) =	ssettag $0x0;
	lr =	simm.s32 $0x1  }
0x2: {  	[smem:$0x3F9F] =	sst lr;
	_ =	strace $0xD0000000  }
0x3: {  	_ = 	snop  }
0x4: {  	_ = 	snop  }
0x5: {  	_ = 	snop  }
0x6: {  	_ = 	snop  }
0x7: {  	_ = 	snop  }
__scs_overlays_trampoline_lowered:
0x8: {  	[smem:$0x3FAE] =	sst s0  }
0x9: {  	[smem:$0x3FAF] =	sst s1  }
0xa: {  	[smem:$0x3FB0] =	sst s2  }
0xb: {  	[smem:$0x3FB1] =	sst s3  }
0xc: {  	[smem:$0x3FB2] =	sst s4  }
0xd: {  	[smem:$0x3FB3] =	sst s5  }
0xe: {  	[smem:$0x3FB4] =	sst s6  }
0xf: {  	[smem:$0x3FB5] =	sst s7  }
0x10: {  	[smem:$0x3FB6] =	sst s8  }
0x11: {  	[smem:$0x3FB7] =	sst s9;
	s0 =	simm.s32 @!p0 $0x0  }
0x12: {  	s1 =	sld [smem:$0x3F9D];
	s0 =	simm.s32 @p0 $0x1  }
0x13: {  	[smem:$0x3FB8] =	sst s0;
	s0 =	simm.s32 @!p1 $0x0  }
0x14: {  	s2 =	sld [smem:$0x3F9C];
	s0 =	simm.s32 @p1 $0x1  }
0x15: {  	[smem:$0x3FB9] =	sst s0;
	s0 =	simm.s32 @!p2 $0x0  }
0x16: {  	s3 =	sld [smem:$0x3FDB];
	s0 =	simm.s32 @p2 $0x1  }
0x17: {  	s4 =	simm.s32 $0x1BF5;
	[smem:$0x3FBB] =	sst s0  }
0x18: {  	s0 =	sld [smem:$0x3F9E];
	_ =	swait.ge [sflag:s4], $0x0  }
0x19: {  	s7 =	sld [smem:$0x3F9F]  }
0x1a: {  	s8 =	sadd.s32 $0xFFFFE003, lr  }
0x1b: {  	s9 =	sadd.s32 $0xFFFFFEF7, lr;
	s5 =	simm.s32 $0xFFFFFFFF;
	p2 =	slt.u32 s8, $0xFFFFF086  }
0x1c: {  	p1 =	slt.u32 s9, $0xF7A;
	s5 =	simm.s32 @!p2 $0x0  }
0x1d: {  	s5 =	simm.s32 @p1 $0x1;
	p0 =	seq.s32 s7, s2  }
0x1e: {  	s7 =	smul.u32 @!p0 $0xF7A, s2;
	p2 =	seq.s32 @!p0 s5, $0x0  }
0x1f: {  	s9 =	smul.u32 $0xF7A, s1;
	s8 =	simm.s32 @!p0 $0x1BF5;
	p2 =	por !p2, p0  }
0x20: {  	[sflag:s8] =	ssyncset.s32 @!p0 $0xFFFFF086;
	s6 =	sadd.s32 @!p0 s3, s7;
	s7 =	simm.s32 @!p0 $0x108  }
0x21: {  	s3 =	sadd.s32 s3, s9;
	s6 =	sadd.s32 @!p0 $0x88, s6;
	s7 =	simm.s32 @p2 $0x1082  }
0x22: {  	[simem:s7], [sflag:s8] =	dma.local @!p0 [hbm:s6], $0xF7A  }
0x23: {  	s9 =	sor.u32 $0xD0000000, s2;
	s6 =	simm.s32 $0x108;
	_ =	swait.ge @!p0 [sflag:s8], $0x0  }
0x24: {  	s3 =	sadd.s32 $0x88, s3;
	s6 =	simm.s32 @!p1 $0x1082;
	[sflag:s4] =	ssyncset.s32 $0xFFFFF086  }
0x25: {  	[simem:s6], [sflag:s4] =	dma.local [hbm:s3], $0xF7A  }
0x26: {  	[smem:$0x3F9F] =	sst s1;
	(tag) =	ssettag s2;
	_ =	strace s9  }
0x27: {  	s1 =	sld [smem:$0x3FAF]  }
0x28: {  	s2 =	sld [smem:$0x3FB0]  }
0x29: {  	s4 =	sld [smem:$0x3FB2]  }
0x2a: {  	p0 =	seq.s32 s5, $0x0;
	s5 =	sld [smem:$0x3FB3]  }
0x2b: {  	s6 =	sld [smem:$0x3FB4]  }
0x2c: {  	s7 =	sld [smem:$0x3FB5]  }
0x2d: {  	s3 =	simm.s32 $0x108;
	s8 =	sld [smem:$0x3FB6]  }
0x2e: {  	s3 =	simm.s32 @!p0 $0x1082;
	s9 =	sld [smem:$0x3FB7]  }
0x2f: {  	lr =	sadd.s32 s0, s3;
	s0 =	sld [smem:$0x3FAE]  }
0x30: {  	s3 =	sld [smem:$0x3FB1]  }
0x31: {  	[smem:$0x3FBA] =	sst s10  }
0x32: {  	s10 =	sld [smem:$0x3FB8];
	_ =	sdelay $0x3  }
0x33: {  	p0 =	seq.s32 s10, $0x1;
	s10 =	sld [smem:$0x3FBA];
	_ =	sdelay $0x3  }
0x34: {  	[smem:$0x3FBA] =	sst s10  }
0x35: {  	s10 =	sld [smem:$0x3FB9];
	_ =	sdelay $0x3  }
0x36: {  	p1 =	seq.s32 s10, $0x1;
	s10 =	sld [smem:$0x3FBA];
	_ =	sdelay $0x3  }
0x37: {  	[smem:$0x3FBA] =	sst s10  }
0x38: {  	s10 =	sld [smem:$0x3FBB]  }
0x39: {  	_ = 	snop;
	(pc) =	sbr.ind lr, $3  }
0x3a: {  	_ = 	snop  }
0x3b: {  	_ = 	snop  }
0x3c: {  	p2 =	seq.s32 s10, $0x1;
	s10 =	sld [smem:$0x3FBA]  }
0x3d: {  	_ =	shalt  }
0x3e: {  	_ =	shalt  }
0x3f: {  	_ =	shalt  }
0x40: {  	_ =	shalt  }
0x41: {  	_ =	shalt  }
0x42: {  	_ =	shalt  }
0x43: {  	_ =	shalt  }
0x44: {  	_ =	shalt  }
0x45: {  	_ =	shalt  }
0x46: {  	_ =	shalt  }
0x47: {  	_ =	shalt  }
0x48: {  	_ =	shalt  }
0x49: {  	_ =	shalt  }
0x4a: {  	_ =	shalt  }
0x4b: {  	_ =	shalt  }
0x4c: {  	_ =	shalt  }
0x4d: {  	_ =	shalt  }
0x4e: {  	_ =	shalt  }
0x4f: {  	_ =	shalt  }
0x50: {  	_ =	shalt  }
0x51: {  	_ =	shalt  }
0x52: {  	_ =	shalt  }
0x53: {  	_ =	shalt  }
0x54: {  	_ =	shalt  }
0x55: {  	_ =	shalt  }
0x56: {  	_ =	shalt  }
0x57: {  	_ =	shalt  }
0x58: {  	_ =	shalt  }
0x59: {  	_ =	shalt  }
0x5a: {  	_ =	shalt  }
0x5b: {  	_ =	shalt  }
0x5c: {  	_ =	shalt  }
0x5d: {  	_ =	shalt  }
0x5e: {  	_ =	shalt  }
0x5f: {  	_ =	shalt  }
0x60: {  	_ =	shalt  }
0x61: {  	_ =	shalt  }
0x62: {  	_ =	shalt  }
0x63: {  	_ =	shalt  }
0x64: {  	_ =	shalt  }
0x65: {  	_ =	shalt  }
0x66: {  	_ =	shalt  }
0x67: {  	_ =	shalt  }
0x68: {  	_ =	shalt  }
0x69: {  	_ =	shalt  }
0x6a: {  	_ =	shalt  }
0x6b: {  	_ =	shalt  }
0x6c: {  	_ =	shalt  }
0x6d: {  	_ =	shalt  }
0x6e: {  	_ =	shalt  }
0x6f: {  	_ =	shalt  }
0x70: {  	_ =	shalt  }
0x71: {  	_ =	shalt  }
0x72: {  	_ =	shalt  }
0x73: {  	_ =	shalt  }
0x74: {  	_ =	shalt  }
0x75: {  	_ =	shalt  }
0x76: {  	_ =	shalt  }
0x77: {  	_ =	shalt  }
0x78: {  	_ =	shalt  }
0x79: {  	_ =	shalt  }
0x7a: {  	_ =	shalt  }
0x7b: {  	_ =	shalt  }
0x7c: {  	_ =	shalt  }
0x7d: {  	_ =	shalt  }
0x7e: {  	_ =	shalt  }
0x7f: {  	_ =	shalt  }
0x80: {  	_ =	shalt  }
0x81: {  	_ =	shalt  }
0x82: {  	_ =	shalt  }
0x83: {  	_ =	shalt  }
0x84: {  	_ =	shalt  }
0x85: {  	_ =	shalt  }
0x86: {  	_ =	shalt  }
0x87: {  	_ =	shalt  }
.Lfunc_end0:
.L_simem_size_0:
called_computation.1_lowered:
.L_overlay_start_0:
0x88: {  	s2 =	sld [smem:$0x3FD9]  }
0x89: {  	s3 =	sld [smem:$0x3FFE];
	_ =	sdelay $0x1  }
0x8a: {  	s1 =	srdreg.scid  }
0x8b: {  	s0 =	sand.u32 $0x1, s1  }
0x8c: {  	s16 =	sshll.u32 s0, $0xA;
	s2 =	sadd.s32 s3, s2  }
0x8d: {  	s2 =	sadd.s32 s2, s16  }
0x8e: {  	[smem:$0x3FC6] =	sst s2  }
0x8f: {  	_ = 	snop  }
0x90: {  	(tm) =	ssettm $0x1  }
0x91: {  	s17 =	sld [smem:$0x3FFB];
	_ =	sdelay $0x3  }
0x92: {  	_ =	strace s17  }
0x93: {  	s2 =	sld [smem:$0x3FFC];
	_ =	sdelay $0x3  }
0x94: {  	_ =	strace s2  }
0x95: {  	s2 =	sld [smem:$0x3FFD];
	_ =	sdelay $0x3  }
0x96: {  	_ =	strace s2  }
0x97: {  	_ =	strace $0x8FFFFFFF  }
0x98: {  	s18 =	sld [smem:$0x3FDB];
	_ =	sdelay $0x1  }
0x99: {  	s19 =	simm.s32 $_scs_section_size  }
0x9a: {  	s4 =	simm.s32 $_size__tile_overlayer_lowered;
	s5 =	simm.s32 $_tile_overlayer_lowered  }
0x9b: {  	s22 =	simm.s32 $0x1BFF;
	s21 =	sshll.u32 s5, $0x1;
	s2 =	sadd.s32 s19, s18  }
0x9c: {  	s6 =	simm.s32 $0x0;
	s20 =	sshll.u32 s4, $0x1;
	s4 =	sadd.s32 s21, s2  }
0x9d: {  	[timem:s6], [sflag:s22] =	dma.local [hbm:s4], s20  }
0x9e: {  	_ =	swait.ge [sflag:s22], s20  }
0x9f: {  	s3 =	ssub.s32 $0x0, s20;
	[sflag:s22] =	ssyncset.done $0x0  }
0xa0: {  	[sflag:s22] =	ssyncadd.s32 s3;
	_ =	sdelay $0x1  }
0xa1: {  	s23 =	simm.s32 $0x1B8B  }
0xa2: {  	_ =	swait.ge [sflag:s23], $0x1  }
0xa3: {  	[sflag:s23] =	ssyncset.done $0x0  }
0xa4: {  	s25 =	simm.s32 $0x1B8E;
	s24 =	sld [smem:$0x3FFE];
	[sflag:s23] =	ssyncadd.s32 $0xFFFFFFFF  }
0xa5: {  	s26 =	simm.s32 $execute0_lowered;
	[smem:$0x3FD2] =	sst s25  }
0xa6: {  	s4 =	sshll.u32 s26, $0x1;
	_ =	strace $0x80000046;
	[dreg:$0x1] =	wrdreg $0xFFFFFFFF  }
0xa7: {  	s28 =	simm.s32 $_size_execute0_lowered;
	s2 =	sadd.s32 s2, s4;
	[dreg:$0x0] =	wrdreg $0x0  }
0xa8: {  	s4 =	sshll.u32 s28, $0x1;
	[dreg:$0x2] =	wrdreg s2  }
0xa9: {  	[dreg:$0x3] =	wrdreg s4  }
0xaa: {  	[dreg:$0x4] =	wrdreg $0xC0  }
0xab: {  	_ =	task [dreg:s6], $0x5FFFF  }
0xac: {  	[dreg:$0x1] =	wrdreg $0xFFFFFFFF  }
0xad: {  	[dreg:$0x0] =	wrdreg $0x60  }
0xae: {  	[dreg:$0x2] =	wrdreg s24  }
0xaf: {  	[dreg:$0x3] =	wrdreg $0x9  }
0xb0: {  	_ =	task.clear_ibuf [dreg:s6], $0x4FFFF;
	_ =	strace $0x90000046  }
0xb1: {  	s29 =	simm.s32 $0x9;
	_ =	strace $0x80000048  }
0xb2: {  	_ =	swait.ge [sflag:s29], $0x1  }
0xb3: {  	[sflag:s29] =	ssyncadd.s32 $0xFFFFFFFF  }
0xb4: {  	_ =	strace $0x90000048  }
0xb5: {  	_ =	sfence  }
0xb6: {  	s30 =	sld [smem:$0x0];
	_ =	sdelay $0x2  }
0xb7: {  	s31 =	sshll.u32 s1, $0xD;
	s1 =	sshrl.u32 s1, $0x2  }
0xb8: {  	s3 =	sand.u32 $0x4000, s31;
	s1 =	sadd.s32 s1, s30  }
0xb9: {  	s0 =	sor.u32 s3, s0;
	s1 =	sshll.u32 s1, $0x11  }
0xba: {  	s0 =	sor.u32 s1, s0  }
0xbb: {  	s0 =	sadd.s32 $0x8F2B, s0  }
0xbc: {  	[sflag:s0] =	ssyncadd.remote.s32 $0x1  }
0xbd: {  	_ =	sfence.sel $0xFFFF  }
0xbe: {  	[dreg:$0x0] =	wrdreg $0xFFFFFFFF;
	(pc) =	sbr.abs _section_cstart, $3  }
0xbf: {  	[dreg:$0x1] =	wrdreg $0xFFFFFFFF  }
0xc0: {  	_ =	task.clear_ibuf [dreg:s6], $0x2FFFF;
	_ =	strace $0x9FFFFFFF  }
0xc1: {  	(tm) =	ssettm $0x7FFFFFFF  }
tec
execute0_lowered:
.L_overlay_start_1:
0x0: {  	(tag) =	ssettag $0x1  }
0x1: {  	s1 =	srdreg.scid  }
0x2: {  	s0 =	stileid.u32;
	s4 =	rddreg [dreg:$0x0]  }
0x3: {  	s2 =	simm.s32 $0x0;
	s13 =	simm.s32 $0xA400;
	s14 =	simm.s32 $0x1  }
0x4: {  	s15 =	simm.s32 $0x2;
	s16 =	simm.s32 $0x6380;
	s25 =	smul.u32 $0x640000, s0  }
0x5: {  	s17 =	simm.s32 $0x0;
	s7 =	sand.u32 $0x1, s1;
	s29 =	smul.u32 $0xC8000, s0  }
0x6: {  	s23 =	sshll.u32 s0, $0x1;
	s1 =	rddreg [dreg:$0x1];
	s28 =	smul.u32 $0x320000, s7  }
0x7: {  	[smem:$0x7FF] =	sst s2;
	s5 =	sor.u32 s7, s23;
	s30 =	smul.u32 $0x64000, s7  }
0x8: {  	s12 =	sadd.s32 $0x1A0200, s4;
	s8 =	ssub.s32 $0x2, s7;
	s3 =	smul.u32 $0x6400, s5  }
0x9: {  	_ =	strace $0x80000047;
	s9 =	smul.u32 $0x320000, s5;
	s10 =	sshrl.u32 s8, $0x1  }
0xa: {  	s11 =	smul.u32 $0x64000, s5;
	s24 =	ssub.s32 s8, s10;
	s8 =	sadd.s32 s28, s25  }
0xb: {  	s10 =	sadd.s32 s29, s12;
	s3 =	sshrl.u32 s3, $0x3;
	s26 =	sshrl.u32 s9, $0x3  }
0xc: {  	s5 =	smax.u32 s24, $0x1;
	s31 =	sadd.s32 s12, s11;
	s8 =	sshrl.u32 s8, $0x3  }
0xd: {  	s9 =	sadd.s32 s30, s10;
	s10 =	simm.s32 $0x3;
	s11 =	simm.s32 $0x6400  }
0xe: {  	s6 =	sadd.s32 s3, s4;
	s3 =	sadd.s32 $0x19800, s4;
	s7 =	sadd.s32 $0x63800, s31  }
0xf: {  	s8 =	sadd.s32 s8, s12;
	s4 =	sadd.s32 $0x800, s6;
	s6 =	sadd.s32 s12, s26  }
0x10: {  	s9 =	sadd.s32 $0x800, s9;
	s12 =	simm.s32 $0x80;
	s6 =	sadd.s32 $0x63000, s6  }
.LBB2_1:
0x11: {  	[tilespmem:s2], [sflag:$0x3] =	stream.linear.gather [hbm4b:s4+s2], $0x6400, $0x38;
	[tilespmem:$0xE400] =	vst v63  }
0x12: {  	_ =	swait.ge [sflag:s10], $0x6400  }
0x13: {  	[sflag:s10] =	ssyncset.done $0x0  }
0x14: {  	[sflag:s10] =	ssyncadd.s32 $0xFFFF9C00  }
0x15: {  	[tilespmem:s11], [sflag:$0x1] =	stream.indirect.gather [hbm4b:s3+s12], $0x80, s2, s12, $0xb8;
	[tilespmem:$0xE400] =	vst v63  }
0x16: {  	_ = 	snop  }
0x17: {  	[tilespmem:s13], [sflag:$0x2] =	stream.indirect.gather [hbm4b:s3+s12], $0x80, s12, s12, $0xb8;
	[tilespmem:$0xE400] =	vst v63  }
0x18: {  	_ =	swait.ge [sflag:s14], $0x4000  }
0x19: {  	[sflag:s14] =	ssyncset.done $0x0  }
0x1a: {  	s18 =	sadd.s32 $0x0, s8;
	[sflag:s14] =	ssyncadd.s32 $0xFFFFC000  }
0x1b: {  	[hbm4b:s18+s2] =	stream.linear.scatter [tilespmem:s11], [sflag:$0x3], $0x4000, $0x38;
	[tilespmem:$0xE400] =	vst v63  }
0x1c: {  	_ =	swait.ge [sflag:s10], $0x4000  }
0x1d: {  	[sflag:s10] =	ssyncset.done $0x0  }
0x1e: {  	s30 =	simm.s32 $0x100;
	[sflag:s10] =	ssyncadd.s32 $0xFFFFC000  }
0x1f: {  	[tilespmem:s11], [sflag:$0x1] =	stream.indirect.gather [hbm4b:s3+s12], $0x80, s30, s12, $0xb8;
	[tilespmem:$0xE400] =	vst v63  }
0x20: {  	_ =	swait.ge [sflag:s15], $0x4000  }
0x21: {  	[sflag:s15] =	ssyncset.done $0x0  }
0x22: {  	s31 =	sadd.s32 $0x0, s9;
	[sflag:s15] =	ssyncadd.s32 $0xFFFFC000  }
0x23: {  	[hbm4b:s31+s2] =	stream.linear.scatter [tilespmem:s13], [sflag:$0x3], $0x4000, $0x38;
	[tilespmem:$0xE400] =	vst v63  }
0x24: {  	_ =	swait.ge [sflag:s10], $0x4000  }
0x25: {  	s19 =	simm.s32 $0x80;
	s18 =	simm.s32 $0x1000;
	[sflag:s10] =	ssyncset.done $0x0  }
.LBB2_2:
0x26: {  	p0 =	sne.s32 s18, $0x62000;
	[sflag:s10] =	ssyncadd.s32 $0xFFFFC000;
	s19 =	sadd.s32 $0x100, s19  }
0x27: {  	[tilespmem:s13], [sflag:$0x2] =	stream.indirect.gather [hbm4b:s3+s12], $0x80, s19, s12, $0xb8;
	[tilespmem:$0xE400] =	vst v63  }
0x28: {  	s20 =	smov.u32 s18;
	s18 =	sadd.s32 $0x1000, s18;
	_ =	swait.ge [sflag:s14], $0x4000  }
0x29: {  	[sflag:s14] =	ssyncset.done $0x0  }
0x2a: {  	s21 =	sadd.s32 s20, s8;
	[sflag:s14] =	ssyncadd.s32 $0xFFFFC000  }
0x2b: {  	[hbm4b:s21+s2] =	stream.linear.scatter [tilespmem:s11], [sflag:$0x3], $0x4000, $0x38;
	[tilespmem:$0xE400] =	vst v63  }
0x2c: {  	_ =	swait.ge [sflag:s10], $0x4000  }
0x2d: {  	[sflag:s10] =	ssyncset.done $0x0  }
0x2e: {  	s21 =	sadd.s32 $0x80, s19;
	[sflag:s10] =	ssyncadd.s32 $0xFFFFC000  }
0x2f: {  	[tilespmem:s11], [sflag:$0x1] =	stream.indirect.gather [hbm4b:s3+s12], $0x80, s21, s12, $0xb8;
	[tilespmem:$0xE400] =	vst v63  }
0x30: {  	_ =	swait.ge [sflag:s15], $0x4000  }
.Ltmp0:
0x31: {  	[sflag:s15] =	ssyncset.done $0x0;
	(pc) =	sbr.rel @p0 .LBB2_2-.Ltmp0, $4  }
0x32: {  	s20 =	sadd.s32 s20, s9;
	[sflag:s15] =	ssyncadd.s32 $0xFFFFC000  }
0x33: {  	[hbm4b:s20+s2] =	stream.linear.scatter [tilespmem:s13], [sflag:$0x3], $0x4000, $0x38;
	[tilespmem:$0xE400] =	vst v63  }
0x34: {  	_ =	swait.ge [sflag:s10], $0x4000  }
0x35: {  	[sflag:s10] =	ssyncset.done $0x0  }
0x36: {  	[sflag:s10] =	ssyncadd.s32 $0xFFFFC000  }
0x37: {  	[tilespmem:s13], [sflag:$0x2] =	stream.indirect.gather [hbm4b:s3+s12], $0x80, s16, s12, $0xb8;
	[tilespmem:$0xE400] =	vst v63  }
0x38: {  	_ =	swait.ge [sflag:s14], $0x4000  }
0x39: {  	[sflag:s14] =	ssyncset.done $0x0  }
0x3a: {  	[sflag:s14] =	ssyncadd.s32 $0xFFFFC000  }
0x3b: {  	[hbm4b:s6+s2] =	stream.linear.scatter [tilespmem:s11], [sflag:$0x3], $0x4000, $0x38;
	[tilespmem:$0xE400] =	vst v63  }
0x3c: {  	_ =	swait.ge [sflag:s10], $0x4000  }
0x3d: {  	[sflag:s10] =	ssyncset.done $0x0  }
0x3e: {  	[sflag:s10] =	ssyncadd.s32 $0xFFFFC000  }
0x3f: {  	s17 =	sadd.s32 $0x1, s17;
	_ =	swait.ge [sflag:s15], $0x4000  }
0x40: {  	p0 =	sne.s32 s17, s5;
	[sflag:s15] =	ssyncset.done $0x0  }
.Ltmp1:
0x41: {  	[sflag:s15] =	ssyncadd.s32 $0xFFFFC000;
	(pc) =	sbr.rel @p0 .LBB2_1-.Ltmp1, $4  }
0x42: {  	[hbm4b:s7+s2] =	stream.linear.scatter [tilespmem:s13], [sflag:$0x3], $0x4000, $0x38;
	[tilespmem:$0xE400] =	vst v63  }
0x43: {  	_ =	swait.ge [sflag:s10], $0x4000  }
0x44: {  	[sflag:s10] =	ssyncset.done $0x0  }
0x45: {  	[sflag:s10] =	ssyncadd.s32 $0xFFFFC000  }
0x46: {  	_ =	sfence.sel $0x180000  }
0x47: {  	[bflag:$0x0] =	sbarrier.arrive $0xFFFF  }
0x48: {  	p0 =	sne.s32 s0, $0x0;
	_ =	strace $0x90000047  }
0x49: {  	s0 =	sadd.s32 @!p0 $0x100000, s1;
	[bflag:$0x2] =	sbarrier.arrive $0xFFFF  }
0x4a: {  	[sflag:s0] =	ssyncadd.tile.s32 @!p0 $0x1;
	_ =	shalt  }
.Lfunc_end2:
_tile_overlayer_lowered:
.L_overlay_start_2:
0x4b: {  	(tag) =	ssettag $0x2  }
0x4c: {  	s0 =	rddreg [dreg:$0x0];
	s2 =	stileid.u32  }
0x4d: {  	s1 =	rddreg [dreg:$0x1];
	p0 =	sne.s32 s2, $0x0  }
0x4e: {  	s3 =	rddreg [dreg:$0x2];
	[bflag:$0x3] =	sbarrier.arrive $0xFFFF;
	s2 =	simm.s32 @!p0 $0x1C03  }
0x4f: {  	[timem:s3], [sflag:s2] =	dma.local @!p0 [hbm:s0], s1  }
0x50: {  	s0 =	simm.s32 @!p0 $0x3  }
0x51: {  	_ =	swait.ge @!p0 [sflag:s0], s1  }
0x52: {  	s1 =	ssub.s32 @!p0 $0x0, s1;
	[sflag:s0] =	ssyncset.done @!p0 $0x0  }
0x53: {  	[sflag:s0] =	ssyncadd.s32 @!p0 s1  }
0x54: {  	[bflag:$0x3] =	sbarrier.arrive $0xFFFF  }
0x55: {  	_ =	shalt  }

// kernel: sparse-core-data-format-call.cloned.1.call-start
scs
called_computation_lowered:
.L_overlay_start_0:
0x0: {  	s2 =	sld [smem:$0x3FD9]  }
0x1: {  	s3 =	sld [smem:$0x3FFE];
	_ =	sdelay $0x1  }
0x2: {  	s1 =	srdreg.scid  }
0x3: {  	s0 =	sand.u32 $0x1, s1  }
0x4: {  	s18 =	sshll.u32 s0, $0xA;
	s2 =	sadd.s32 s3, s2  }
0x5: {  	s2 =	sadd.s32 s2, s18  }
0x6: {  	[smem:$0x3FC6] =	sst s2  }
0x7: {  	_ = 	snop  }
0x8: {  	s2 =	sld [smem:$0x3FD0];
	(tm) =	ssettm $0x1  }
0x9: {  	s19 =	sld [smem:$0x3FFB];
	_ =	sdelay $0x3  }
0xa: {  	_ =	strace s19  }
0xb: {  	s3 =	sld [smem:$0x3FFC];
	_ =	sdelay $0x3  }
0xc: {  	_ =	strace s3  }
0xd: {  	s3 =	sld [smem:$0x3FFD];
	_ =	sdelay $0x3  }
0xe: {  	_ =	strace s3  }
0xf: {  	_ =	strace $0x8FFFFFFF  }
0x10: {  	s20 =	sld [smem:$0x3FDB];
	_ =	sdelay $0x1  }
0x11: {  	s4 =	simm.s32 $_scs_section_size  }
0x12: {  	s5 =	simm.s32 $_size__tile_overlayer_lowered;
	s6 =	simm.s32 $_tile_overlayer_lowered  }
0x13: {  	s23 =	simm.s32 $0x1BFF;
	s22 =	sshll.u32 s6, $0x1;
	s3 =	sadd.s32 s4, s20  }
0x14: {  	s7 =	simm.s32 $0x0;
	s21 =	sshll.u32 s5, $0x1;
	s5 =	sadd.s32 s22, s3  }
0x15: {  	[timem:s7], [sflag:s23] =	dma.local [hbm:s5], s21  }
0x16: {  	_ =	swait.ge [sflag:s23], s21  }
0x17: {  	s4 =	ssub.s32 $0x0, s21;
	[sflag:s23] =	ssyncset.done $0x0  }
0x18: {  	[sflag:s23] =	ssyncadd.s32 s4;
	_ =	sdelay $0x1  }
0x19: {  	s24 =	simm.s32 $0x1B8B  }
0x1a: {  	_ =	swait.ge [sflag:s24], $0x1  }
0x1b: {  	[sflag:s24] =	ssyncset.done $0x0  }
0x1c: {  	s26 =	simm.s32 $0x1B8E;
	s25 =	sld [smem:$0x3FFE];
	[sflag:s24] =	ssyncadd.s32 $0xFFFFFFFF  }
0x1d: {  	s27 =	simm.s32 $execute0_lowered;
	[smem:$0x3FD2] =	sst s26  }
0x1e: {  	s5 =	sshll.u32 s27, $0x1;
	_ =	strace $0x80000049;
	[dreg:$0x1] =	wrdreg $0xFFFFFFFF  }
0x1f: {  	s28 =	simm.s32 $_size_execute0_lowered;
	s3 =	sadd.s32 s3, s5;
	[dreg:$0x0] =	wrdreg $0x0  }
0x20: {  	s5 =	sshll.u32 s28, $0x1;
	[dreg:$0x2] =	wrdreg s3  }
0x21: {  	[dreg:$0x3] =	wrdreg s5  }
0x22: {  	[dreg:$0x4] =	wrdreg $0xC0  }
0x23: {  	_ =	task [dreg:s7], $0x5FFFF  }
0x24: {  	[dreg:$0x1] =	wrdreg $0xFFFFFFFF  }
0x25: {  	[dreg:$0x0] =	wrdreg $0x60  }
0x26: {  	[dreg:$0x2] =	wrdreg s25  }
0x27: {  	[dreg:$0x3] =	wrdreg s2  }
0x28: {  	[dreg:$0x4] =	wrdreg $0x9  }
0x29: {  	_ =	task.clear_ibuf [dreg:s7], $0x5FFFF;
	_ =	strace $0x90000049  }
0x2a: {  	s29 =	simm.s32 $0x9;
	_ =	strace $0x8000004B  }
0x2b: {  	_ =	swait.ge [sflag:s29], $0x1  }
0x2c: {  	[sflag:s29] =	ssyncadd.s32 $0xFFFFFFFF  }
0x2d: {  	_ =	strace $0x9000004B  }
0x2e: {  	_ =	sfence  }
0x2f: {  	s30 =	sld [smem:$0x0];
	_ =	sdelay $0x2  }
0x30: {  	s31 =	sshll.u32 s1, $0xD;
	s1 =	sshrl.u32 s1, $0x2  }
0x31: {  	s3 =	sand.u32 $0x4000, s31;
	s1 =	sadd.s32 s1, s30  }
0x32: {  	s0 =	sor.u32 s3, s0;
	s1 =	sshll.u32 s1, $0x11  }
0x33: {  	s0 =	sor.u32 s1, s0  }
0x34: {  	s0 =	sadd.s32 $0x8F2B, s0  }
0x35: {  	[sflag:s0] =	ssyncadd.remote.s32 $0x1  }
0x36: {  	_ =	sfence.sel $0xFFFF  }
0x37: {  	[dreg:$0x0] =	wrdreg $0xFFFFFFFF;
	(pc) =	sbr.abs _section_cstart, $3  }
0x38: {  	[dreg:$0x1] =	wrdreg $0xFFFFFFFF  }
0x39: {  	_ =	task.clear_ibuf [dreg:s7], $0x2FFFF;
	_ =	strace $0x9FFFFFFF  }
0x3a: {  	(tm) =	ssettm $0x7FFFFFFF  }
0x3b: {  	_ =	shalt  }
tec
execute0_lowered:
.L_overlay_start_1:
0x0: {  	(tag) =	ssettag $0x1  }
0x1: {  	s0 =	srdreg.scid  }
0x2: {  	s1 =	sshll.u32 s0, $0x4  }
0x3: {  	s6 =	rddreg [dreg:$0x0];
	s0 =	stileid.u32;
	s1 =	sand.u32 $0x10, s1  }
0x4: {  	s3 =	rddreg [dreg:$0x1];
	s1 =	sor.u32 s0, s1  }
0x5: {  	s5 =	simm.s32 $0x1;
	s31 =	simm.s32 $0x2;
	s2 =	sshll.u32 s1, $0x7  }
0x6: {  	s15 =	simm.s32 $0x0;
	s8 =	simm.s32 $0xC8000;
	s4 =	ssub.s32 $0x1000, s2  }
0x7: {  	s14 =	simm.s32 $0x0;
	s9 =	simm.s32 $0x0;
	s30 =	sand.u32 $0xF80, s4  }
0x8: {  	s10 =	simm.s32 $0x0;
	s11 =	simm.s32 $0x0;
	p0 =	sne.s32 s30, $0x0  }
.Ltmp0:
0x9: {  	s7 =	sshrl.u32 s4, $0xC;
	s5 =	simm.s32 @!p0 $0x0;
	(pc) =	sbr.rel .LBB1_1-.Ltmp0, $4  }
0xa: {  	s13 =	simm.s32 $0x0;
	s1 =	rddreg [dreg:$0x2];
	s5 =	sadd.s32 s5, s7  }
0xb: {  	_ =	strace $0x8000004A;
	s4 =	simm.s32 $0x1;
	s5 =	smul.u32 $0xC8, s5  }
0xc: {  	s6 =	sadd.s32 $0x1A0200, s6;
	s12 =	smov.u32 s2;
	[sflag:s4] =	ssyncpa.u1 $0x0  }
0xd: {  	[sflag:s31] =	ssyncpa.u1 $0x0;
	p0 =	por $0x0, $0x0;
	s7 =	sor.u32 $0x1, s5  }
.LBB1_4:
0xe: {  	s20 =	sshra.s32 s20, $0x2;
	s27 =	sshll.u32 s9, $0xC  }
0xf: {  	s21 =	sand.u32 $0x78, s10;
	s22 =	sshll.u32 s10, $0x3;
	s24 =	sshll.u32 s9, $0x7  }
0x10: {  	p1 =	sgt.s32 s9, $0xC7;
	s30 =	sshra.s32 s9, $0x1F;
	s25 =	sshra.s32 s10, $0x1F  }
0x11: {  	s19 =	sadd.s32 s20, s19;
	s20 =	sand.u32 $0xFFFF8000, s27;
	s23 =	sand.u32 $0xFFFFFC00, s22  }
0x12: {  	v5 =	vld [tilespmem:s17+$0xFFFFFFD0];
	[tilespmem:s18+$0x2040 ss:$0x81] =	vst.msk $0xffff, v4;
	s22 =	sand.u32 $0xC00, s22;
	s28 =	sand.u32 $0x380, s24;
	s31 =	sand.u32 s30, s9  }
0x13: {  	v58 =	vld [tilespmem:s17+$0xFFFFFFE0];
	[tilespmem:s18+$0x2850 ss:$0x81] =	vst.msk $0xffff, v3;
	s24 =	smov.u32 s10;
	s25 =	sand.u32 s25, s10;
	s20 =	sadd.s32 s23, s20  }
0x14: {  	v59 =	vld [tilespmem:s17+$0xFFFFFFF0];
	[tilespmem:s18+$0x3060 ss:$0x81] =	vst.msk $0xffff, v2;
	s21 =	sor.u32 s21, s22;
	s22 =	smov.u32 s9;
	s20 =	sshrl.u32 s20, $0xC  }
0x15: {  	v60 =	vld [tilespmem:s17+$0x0];
	[tilespmem:s18+$0x0 ss:$0x81] =	vst.msk $0xffff, v1;
	s22 =	simm.s32 @!p1 $0xC7;
	p1 =	sgt.s32 s10, $0xF80;
	s29 =	smulhi.u32 $0x147AE15, s20  }
0x16: {  	v61 =	vld [tilespmem:s17+$0x10];
	[tilespmem:s19+$0x3870 ss:$0x81] =	vst.msk $0xffff, v0;
	s21 =	sor.u32 s28, s21;
	s18 =	ssub.s32 s22, s31;
	s24 =	simm.s32 @!p1 $0xF80  }
0x17: {  	v62 =	vld [tilespmem:s17+$0x20];
	[tilespmem:s19+$0x810 ss:$0x81] =	vst.msk $0xffff, v5;
	s22 =	ssub.s32 s24, s25;
	s26 =	ssub.s32 $0xC8, s18;
	s23 =	smul.u32 $0xC8, s29  }
0x18: {  	v63 =	vld [tilespmem:s17+$0xFFFFFFC0];
	[tilespmem:s19+$0x1020 ss:$0x81] =	vst.msk $0xffff, v58;
	s27 =	sadd.s32 $0xFFFFFF39, s18;
	s18 =	smul.u32 $0x64, s26;
	s28 =	sadd.s32 $0xFFFFF080, s22  }
0x19: {  	[tilespmem:s19+$0x1830 ss:$0x81] =	vst.msk $0xffff, v59;
	p1 =	sgt.s32 s27, $0x0;
	s17 =	ssub.s32 $0x1000, s22;
	p2 =	sgt.s32 s28, $0x7F  }
0x1a: {  	s30 =	sand.u32 $0x7, s10;
	[tilespmem:s19+$0x2040 ss:$0x81] =	vst.msk $0xffff, v60;
	s18 =	simm.s32 @p1 $0x0;
	s17 =	simm.s32 @p2 $0x0  }
0x1b: {  	[tilespmem:s19+$0x2850 ss:$0x81] =	vst.msk $0xffff, v61;
	s29 =	sshrl.u32 s21, $0x3;
	s20 =	ssub.s32 s20, s23;
	s17 =	smul.u32 s17, s18  }
0x1c: {  	[tilespmem:s19+$0x3060 ss:$0x81] =	vst.msk $0xffff, v62;
	s21 =	sshll.u32 s30, $0x12;
	s20 =	sshll.u32 s20, $0x9;
	s18 =	sadd.s32 s3, s29  }
0x1d: {  	[tilespmem:s19+$0x0 ss:$0x81] =	vst.msk $0xffff, v63;
	s31 =	sor.u32 $0x80, s21;
	s18 =	sadd.s32 s20, s18;
	s17 =	sand.u32 $0x3FFFFFFC, s17  }
0x1e: {  	[hbm4b:s18+s31] =	stream.strided.scatter [tilespmem:s16], [sflag:$0x2], s17, s8, s31, $0x20;
	[tilespmem:$0x10100] =	vst v63  }
.LBB1_5:
0x1f: {  	p1 =	slt.u32 s13, $0x2  }
0x20: {  	s17 =	smov.u32 s15;
	p2 =	sgt.s32 @!p1 s15, $0xC7;
	s16 =	sshra.s32 @!p1 s15, $0x1F  }
0x21: {  	p3 =	sgt.s32 @!p1 s14, $0xF80;
	s18 =	sshra.s32 @!p1 s14, $0x1F;
	p2 =	por !p2, p1  }
0x22: {  	s15 =	sand.u32 @!p1 s16, s15;
	p3 =	por !p3, p1;
	s16 =	smov.u32 s14  }
0x23: {  	s14 =	sand.u32 @!p1 s18, s14;
	s17 =	simm.s32 @p2 $0xC7;
	s16 =	simm.s32 @p3 $0xF80  }
0x24: {  	s18 =	smov.u32 s12;
	s15 =	ssub.s32 @!p1 s17, s15;
	s14 =	ssub.s32 @!p1 s16, s14  }
0x25: {  	s16 =	sadd.s32 @!p1 $0xFFFFFF39, s15;
	s15 =	ssub.s32 @!p1 $0xC8, s15;
	s17 =	sadd.s32 @!p1 $0xFFFFF080, s14  }
0x26: {  	p2 =	sgt.s32 @!p1 s16, $0x0;
	s15 =	smul.u32 @!p1 $0x64, s15;
	p3 =	sgt.s32 @!p1 s17, $0x7F  }
0x27: {  	s14 =	ssub.s32 @!p1 $0x1000, s14;
	p2 =	por !p2, p1;
	p3 =	por !p3, p1  }
0x28: {  	s16 =	sadd.s32 $0x1, s11;
	s15 =	simm.s32 @!p2 $0x0;
	s14 =	simm.s32 @!p3 $0x0  }
0x29: {  	p2 =	sgt.s32 s16, $0xC7;
	s14 =	smul.u32 @!p1 s14, s15;
	s15 =	sadd.s32 $0x1000, s12  }
0x2a: {  	s18 =	smov.u32 @p2 s15  }
0x2b: {  	s16 =	simm.s32 @p2 $0x0;
	p2 =	sgt.s32 s18, $0xFFF  }
0x2c: {  	s18 =	smov.u32 @p2 s2;
	p2 =	sne.s32 s13, s7  }
.Ltmp1:
0x2d: {  	p0 =	por !p0, !p0;
	s17 =	simm.s32 @!p1 $0x2;
	(pc) =	sbr.rel @!p2 .LBB1_6-.Ltmp1, $4  }
0x2e: {  	s15 =	smov.u32 s9;
	s9 =	smov.u32 s11;
	s14 =	sand.u32 @!p1 $0x3FFFFFFC, s14  }
0x2f: {  	s11 =	smov.u32 s16;
	_ =	swait.ge @!p1 [sflag:s17], s14;
	s19 =	ssub.s32 @!p1 $0x0, s14  }
0x30: {  	s14 =	smov.u32 s10;
	s13 =	sadd.s32 $0x1, s13;
	[sflag:s17] =	ssyncset.done @!p1 $0x0  }
0x31: {  	s10 =	smov.u32 s12;
	s12 =	smov.u32 s18;
	[sflag:s17] =	ssyncadd.s32 @!p1 s19  }
.LBB1_1:
0x32: {  	p1 =	sge.u32 s13, s5  }
0x33: {  	s16 =	sand.u32 @!p1 $0x1FFFFFF, s11  }
0x34: {  	s17 =	smulhi.u32 @!p1 $0x147AE15, s16;
	_ =	sdelay $0x1  }
0x35: {  	s17 =	smul.u32 @!p1 $0xC8, s17  }
0x36: {  	s18 =	sxor.u32 @!p1 $0xFFFFFFFF, s13;
	s19 =	smul.u32 @!p1 $0xC80, s12  }
0x37: {  	s31 =	sadd.s32 $0xFFFFFFFF, s13;
	s18 =	sshll.u32 @!p1 s18, $0xE;
	s16 =	ssub.s32 @!p1 s16, s17  }
0x38: {  	s17 =	sand.u32 @!p1 $0x4000, s18;
	s18 =	sadd.s32 @!p1 s6, s19;
	s16 =	sshll.u32 @!p1 s16, $0x4  }
0x39: {  	s19 =	simm.s32 @!p1 $0x6400;
	s16 =	sadd.s32 @!p1 s16, s18;
	s18 =	simm.s32 @!p1 $0x80  }
0x3a: {  	[tilespmem:s17], [sflag:$0x1] =	stream.strided.gather @!p1 [hbm4b:s16+s18], $0x4000, s19, s18, $0x38;
	[tilespmem:$0x10100] =	vst v63  }
0x3b: {  	p1 =	sge.u32 s31, s5  }
.Ltmp2:
0x3c: {  	_ = 	snop;
	(pc) =	sbr.rel @p1 .LBB1_5-.Ltmp2, $1  }
0x3d: {  	_ =	sdelay $0x3  }
0x3e: {  	s16 =	simm.s32 $0x1  }
0x3f: {  	_ =	swait.ge [sflag:s4], $0x4000;
	s16 =	simm.s32 @!p0 $0x0  }
0x40: {  	[sflag:s4] =	ssyncset.done $0x0;
	s17 =	sshll.u32 s16, $0xE  }
0x41: {  	[sflag:s4] =	ssyncadd.s32 $0xFFFFC000;
	s17 =	sor.u32 $0x40, s17  }
0x42: {  	s16 =	smul.u32 $0x10200, s16;
	v0 =	vld [tilespmem:s17+$0x30]  }
0x43: {  	v1 =	vld [tilespmem:s17+$0xFFFFFFD0]  }
0x44: {  	s16 =	sshrl.u32 s16, $0x2;
	v5 =	vld [tilespmem:s17+$0xFFFFFFE0]  }
0x45: {  	v6 =	vld [tilespmem:s17+$0xFFFFFFF0];
	s19 =	sor.u32 $0x8000, s16  }
0x46: {  	s31 =	sand.u32 $0x1, s13;
	v4 =	vld [tilespmem:s17+$0x0];
	s18 =	sadd.s32 $0x0, s19  }
0x47: {  	v3 =	vld [tilespmem:s17+$0x10];
	s16 =	smul.u32 $0x10200, s31;
	[tilespmem:s18+$0x3870 ss:$0x81] =	vst.msk $0xffff, v0  }
0x48: {  	v2 =	vld [tilespmem:s17+$0x20];
	[tilespmem:s18+$0x810 ss:$0x81] =	vst.msk $0xffff, v1  }
0x49: {  	s16 =	sshrl.u32 s16, $0x2;
	v1 =	vld [tilespmem:s17+$0xFFFFFFC0];
	[tilespmem:s18+$0x1020 ss:$0x81] =	vst.msk $0xffff, v5;
	s17 =	sadd.s32 $0x80, s17  }
0x4a: {  	s20 =	simm.s32 $0x4;
	s21 =	simm.s32 $0x8;
	s16 =	sor.u32 $0x8000, s16;
	[tilespmem:s18+$0x1830 ss:$0x81] =	vst.msk $0xffff, v6;
	v0 =	vld [tilespmem:s17+$0x30]  }
.LBB1_3:
0x4b: {  	p1 =	sne.s32 s21, $0x1FC;
	v5 =	vld [tilespmem:s17+$0xFFFFFFD0];
	[tilespmem:s18+$0x2040 ss:$0x81] =	vst.msk $0xffff, v4  }
0x4c: {  	v6 =	vld [tilespmem:s17+$0xFFFFFFE0];
	[tilespmem:s18+$0x2850 ss:$0x81] =	vst.msk $0xffff, v3  }
0x4d: {  	s22 =	sshra.s32 s20, $0x2;
	s20 =	smov.u32 s21;
	v7 =	vld [tilespmem:s17+$0xFFFFFFF0];
	[tilespmem:s18+$0x3060 ss:$0x81] =	vst.msk $0xffff, v2  }
.Ltmp3:
0x4e: {  	v4 =	vld [tilespmem:s17+$0x0];
	[tilespmem:s18+$0x0 ss:$0x81] =	vst.msk $0xffff, v1;
	s18 =	sadd.s32 s22, s19;
	(pc) =	sbr.rel @p1 .LBB1_3-.Ltmp3, $4  }
0x4f: {  	v3 =	vld [tilespmem:s17+$0x10];
	[tilespmem:s18+$0x3870 ss:$0x81] =	vst.msk $0xffff, v0  }
0x50: {  	[tilespmem:s18+$0x810 ss:$0x81] =	vst.msk $0xffff, v5;
	v2 =	vld [tilespmem:s17+$0x20]  }
0x51: {  	v1 =	vld [tilespmem:s17+$0xFFFFFFC0];
	[tilespmem:s18+$0x1020 ss:$0x81] =	vst.msk $0xffff, v6;
	s17 =	sadd.s32 $0x80, s17  }
0x52: {  	s21 =	sadd.s32 $0x4, s21;
	v0 =	vld [tilespmem:s17+$0x30];
	[tilespmem:s18+$0x1830 ss:$0x81] =	vst.msk $0xffff, v7  }
.Ltmp4:
0x53: {  	_ = 	snop;
	(pc) =	sbr.rel .LBB1_4-.Ltmp4, $1  }
0x54: {  	_ =	sdelay $0x3  }
.LBB1_6:
0x55: {  	_ =	sfence.sel $0x180000  }
0x56: {  	s2 =	simm.s32 $0x1;
	[bflag:$0x0] =	sbarrier.arrive $0xFFFF  }
0x57: {  	s31 =	simm.s32 $0x2;
	[sflag:s2] =	ssyncpa.u1 $0x1  }
0x58: {  	[sflag:s31] =	ssyncpa.u1 $0x1  }
0x59: {  	p0 =	sne.s32 s0, $0x0;
	_ =	strace $0x9000004A  }
0x5a: {  	s0 =	sadd.s32 @!p0 $0x100000, s1;
	[bflag:$0x2] =	sbarrier.arrive $0xFFFF  }
0x5b: {  	[sflag:s0] =	ssyncadd.tile.s32 @!p0 $0x1;
	_ =	shalt  }
.Lfunc_end1:
_tile_overlayer_lowered:
.L_overlay_start_2:
0x5c: {  	(tag) =	ssettag $0x2  }
0x5d: {  	s0 =	rddreg [dreg:$0x0];
	s2 =	stileid.u32  }
0x5e: {  	s1 =	rddreg [dreg:$0x1];
	p0 =	sne.s32 s2, $0x0  }
0x5f: {  	s3 =	rddreg [dreg:$0x2];
	[bflag:$0x3] =	sbarrier.arrive $0xFFFF;
	s2 =	simm.s32 @!p0 $0x1C01  }
0x60: {  	[timem:s3], [sflag:s2] =	dma.local @!p0 [hbm:s0], s1  }
0x61: {  	s0 =	simm.s32 @!p0 $0x1  }
0x62: {  	_ =	swait.ge @!p0 [sflag:s0], s1  }
0x63: {  	s1 =	ssub.s32 @!p0 $0x0, s1;
	[sflag:s0] =	ssyncset.done @!p0 $0x0  }
0x64: {  	[sflag:s0] =	ssyncadd.s32 @!p0 s1  }
0x65: {  	[bflag:$0x3] =	sbarrier.arrive $0xFFFF  }
0x66: {  	_ =	shalt  }

</sc_bundles>
